<compile_context>
chip_gen: v7x
topology: tpu7x:2x2x1
jax: 0.10.2.dev20260603
libtpu: 0.0.44.dev20260713+nightly
codegen_flags: <defaults>
</compile_context>

<pallas_src>
import jax
import jax.numpy as jnp
from jax import lax
from jax.experimental import pallas as pl
from jax.experimental.pallas import tpu as pltpu
from jax.experimental.pallas import tpu_sc as plsc

D_MODEL = 256
HALF = 128
N_PAT = 64
LANES = 16

B, H, W = 128, 30, 30
N = B * H * W
NW = 32
PER_W = N // NW
CHUNK = 240
NCHUNK = PER_W // CHUNK
NBUF = 3


def _gather_body(idx_hbm, ppe_hbm, out_hbm, tbl_v, pt0, pt1, pt2, pti_v,
                 si0, si1, si2, so0, so1, so2):
    pt_bufs = (pt0, pt1, pt2)
    sem_in = (si0, si1, si2)
    sem_out = (so0, so1, so2)
    wid = lax.axis_index("s") * 2 + lax.axis_index("c")
    base = wid * PER_W

    @pl.when(lax.axis_index("s") == 0)
    def _stage_table():
        pltpu.sync_copy(ppe_hbm, tbl_v)

    pltpu.sync_copy(idx_hbm.at[pl.ds(base, PER_W)], pti_v)
    plsc.subcore_barrier()

    def prep(g, t):
        sl = pl.ds(g * LANES, LANES)
        pti_v[sl] = lax.bitwise_and(pti_v[sl], N_PAT - 1)
        return t

    lax.fori_loop(0, PER_W // LANES, prep, 0)

    def issue_gather(c, b):
        pltpu.async_copy(tbl_v.at[pti_v.at[pl.ds(c * CHUNK, CHUNK)]],
                         pt_bufs[b], sem_in[b])

    def wait_gather(b):
        pltpu.make_async_copy(out_hbm.at[pl.ds(0, CHUNK)], pt_bufs[b],
                              sem_in[b]).wait()

    def issue_out(c, b):
        pltpu.async_copy(pt_bufs[b], out_hbm.at[pl.ds(base + c * CHUNK, CHUNK)],
                         sem_out[b])

    def wait_out(b):
        pltpu.make_async_copy(pt_bufs[b], out_hbm.at[pl.ds(0, CHUNK)],
                              sem_out[b]).wait()

    issue_gather(0, 0)
    issue_gather(1, 1)
    issue_gather(2, 2)
    wait_gather(0); issue_out(0, 0)
    wait_out(0); issue_gather(3, 0)
    wait_gather(1); issue_out(1, 1)
    wait_out(1); issue_gather(4, 1)
    wait_gather(2); issue_out(2, 2)

    def outer(co, t):
        for k in range(NBUF):
            c = NBUF * co + k
            pb = (k + 2) % NBUF

            @pl.when(c + 2 < NCHUNK)
            def _prefetch():
                wait_out(pb)
                issue_gather(c + 2, pb)

            wait_gather(k)
            issue_out(c, k)
        return t

    lax.fori_loop(1, NCHUNK // NBUF, outer, 0)
    wait_out(0)
    wait_out(1)
    wait_out(2)


def _sc_gather(idxf, pattern_pe):
    mesh = plsc.VectorSubcoreMesh(core_axis_name="c", subcore_axis_name="s")
    return pl.kernel(
        _gather_body,
        out_type=jax.ShapeDtypeStruct((N, HALF), jnp.float32),
        mesh=mesh,
        scratch_types=[
            pltpu.VMEM_SHARED((N_PAT, HALF), jnp.float32),
            pltpu.VMEM((CHUNK, HALF), jnp.float32),
            pltpu.VMEM((CHUNK, HALF), jnp.float32),
            pltpu.VMEM((CHUNK, HALF), jnp.float32),
            pltpu.VMEM((PER_W,), jnp.int32),
            pltpu.SemaphoreType.DMA,
            pltpu.SemaphoreType.DMA,
            pltpu.SemaphoreType.DMA,
            pltpu.SemaphoreType.DMA,
            pltpu.SemaphoreType.DMA,
            pltpu.SemaphoreType.DMA,
        ],
    )(idxf, pattern_pe)


HB = 1


def _add_body(x_ref, sp_ref, pc_ref, out_ref):
    sp = sp_ref[...]
    pc = pc_ref[...]
    out_ref[..., :HALF] = x_ref[..., :HALF] + sp[:, :, None, :]
    out_ref[..., HALF:] = x_ref[..., HALF:] + pc.reshape(HB, W, B, HALF)


def _tc_add(xT, spatial_pe, penc):
    return pl.pallas_call(
        _add_body,
        grid=(H // HB,),
        in_specs=[
            pl.BlockSpec((HB, W, B, D_MODEL), lambda i: (i, 0, 0, 0)),
            pl.BlockSpec((HB, W, HALF), lambda i: (i, 0, 0)),
            pl.BlockSpec((HB * W * B, HALF), lambda i: (i, 0)),
        ],
        out_specs=pl.BlockSpec((HB, W, B, D_MODEL), lambda i: (i, 0, 0, 0)),
        out_shape=jax.ShapeDtypeStruct((H, W, B, D_MODEL), jnp.float32),
    )(xT, spatial_pe, penc)


@jax.jit
def kernel(x, pattern_indices, spatial_pe, pattern_pe):
    xT = jnp.transpose(x, (1, 2, 0, 3))
    idxT = jnp.transpose(pattern_indices, (1, 2, 0)).reshape(N).astype(jnp.int32)
    penc = _sc_gather(idxT, pattern_pe)
    outT = _tc_add(xT, spatial_pe, penc)
    return jnp.transpose(outT, (2, 0, 1, 3))

# --- scband reference (transcript-rebuilt; emitter-appended) ---
"""Pipeline reference for scband-creative-positional-encoding-8358006358352 (READ-ONLY COPY).

The authoritative reference and input builder live on the scoring server;
editing this copy changes nothing except your own understanding.
"""

import jax, jax.numpy as jnp
import numpy as np

D_MODEL = 256
MAX_GRID = 30
NUM_PATTERNS = 64

def setup_inputs(seed: int = 0) -> dict:
    key = jax.random.key(seed)
    k1, k2, k3, k4 = jax.random.split(key, 4)
    B, H, W = 128, 30, 30
    x = jax.random.normal(k1, (B, H, W, D_MODEL), dtype=jnp.float32)
    pattern_indices = jax.random.randint(k2, (B, H, W), 0, NUM_PATTERNS, dtype=jnp.int64 if jax.config.jax_enable_x64 else jnp.int32)
    spatial_pe = jax.random.normal(k3, (MAX_GRID, MAX_GRID, D_MODEL // 2), dtype=jnp.float32) * 0.02
    pattern_pe = jax.random.normal(k4, (NUM_PATTERNS, D_MODEL // 2), dtype=jnp.float32) * 0.02
    return {"x": x, "pattern_indices": pattern_indices, "spatial_pe": spatial_pe, "pattern_pe": pattern_pe}

def reference(x, pattern_indices, spatial_pe, pattern_pe):
    B, H, W, d_model = x.shape
    # spatial encoding: slice to grid size and broadcast over batch
    spatial_enc = jnp.broadcast_to(spatial_pe[:H, :W, :][None, :, :, :], (B, H, W, spatial_pe.shape[-1]))
    # pattern encoding: gather rows of pattern_pe by (pattern_indices % num_patterns)
    idx = jnp.mod(pattern_indices, NUM_PATTERNS).astype(jnp.int32)
    pattern_enc = jnp.take(pattern_pe, idx, axis=0)  # [B, H, W, d_model//2]
    combined_pe = jnp.concatenate([spatial_enc, pattern_enc], axis=-1)
    return x + combined_pe

if __name__ == "__main__":
    import jax
    _d = setup_inputs()
    print(jax.jit(kernel)(*tuple(_d.values())))

</pallas_src>

<mosaic_0001>
#map = affine_map<(d0, d1) -> (0)>
#map1 = affine_map<(d0, d1) -> (0, 0)>
module attributes {stable_mosaic.version = 14 : i64} {
  func.func @_gather_body(%arg0: i32, %arg1: i32, %arg2: memref<115200xi32, #tpu.memory_space<hbm>>, %arg3: memref<64x128xf32, #tpu.memory_space<hbm>>, %arg4: memref<115200x128xf32, #tpu.memory_space<hbm>>, %arg5: memref<64x128xf32, #tpu.memory_space<vmem_shared>>, %arg6: memref<240x128xf32, #tpu.memory_space<vmem>>, %arg7: memref<240x128xf32, #tpu.memory_space<vmem>>, %arg8: memref<240x128xf32, #tpu.memory_space<vmem>>, %arg9: memref<3600xi32, #tpu.memory_space<vmem>>, %arg10: memref<!tpu.dma_semaphore, #tpu.memory_space<semaphore_mem>>, %arg11: memref<!tpu.dma_semaphore, #tpu.memory_space<semaphore_mem>>, %arg12: memref<!tpu.dma_semaphore, #tpu.memory_space<semaphore_mem>>, %arg13: memref<!tpu.dma_semaphore, #tpu.memory_space<semaphore_mem>>, %arg14: memref<!tpu.dma_semaphore, #tpu.memory_space<semaphore_mem>>, %arg15: memref<!tpu.dma_semaphore, #tpu.memory_space<semaphore_mem>>) attributes {dimension_semantics = [#tpu.dimension_semantics<core_parallel>, #tpu.dimension_semantics<subcore_parallel>], iteration_bounds = array<i64: 2, 16>, scalar_prefetch = 0 : i64, scratch_operands = 11 : i64, tpu.core_type = #tpu.core_type<sc_vector_subcore>, window_params = [{transform_indices = #map}, {transform_indices = #map1}, {transform_indices = #map1}]} {
    %mul3A = arith.constant 2 : i32
    %mul3A_0 = arith.muli %arg1, %mul3A : i32
    %add3A = arith.addi %mul3A_0, %arg0 : i32
    %mul3A_1 = arith.constant 3600 : i32
    %mul3A_2 = arith.muli %add3A, %mul3A_1 : i32
    %eq3A = arith.constant 0 : i32
    %eq3A_3 = arith.cmpi eq, %arg1, %eq3A : i32
    %convert_element_type3A = arith.extui %eq3A_3 : i1 to i32
    %cond3A = arith.constant 0 : i32
    %cond3A_4 = arith.cmpi ne, %convert_element_type3A, %cond3A : i32
    scf.if %cond3A_4 {
      "tpu.region"() ({
        %run_scoped3A = tpu.sem_alloc : memref<!tpu.dma_semaphore, #tpu.memory_space<semaphore_mem>>
        tpu.enqueue_dma source(%arg3 : memref<64x128xf32, #tpu.memory_space<hbm>>) target(%arg5 : memref<64x128xf32, #tpu.memory_space<vmem_shared>>) target_semaphore(%run_scoped3A : memref<!tpu.dma_semaphore, #tpu.memory_space<semaphore_mem>>)
        tpu.wait_dma2 semaphore(%run_scoped3A : memref<!tpu.dma_semaphore, #tpu.memory_space<semaphore_mem>>) src(%arg3 : memref<64x128xf32, #tpu.memory_space<hbm>>) dst(%arg5 : memref<64x128xf32, #tpu.memory_space<vmem_shared>>)
        tpu.yield
      }) : () -> ()
    } else {
    }
    "tpu.region"() ({
      %run_scoped3A = tpu.sem_alloc : memref<!tpu.dma_semaphore, #tpu.memory_space<semaphore_mem>>
      %dma_start3A_105 = tpu.memref_slice %arg2[%mul3A_2] : memref<115200xi32, #tpu.memory_space<hbm>> -> memref<3600xi32, #tpu.memory_space<hbm>>
      %dma_start3A_106 = tpu.memref_slice %arg2[%mul3A_2] : memref<115200xi32, #tpu.memory_space<hbm>> -> memref<3600xi32, #tpu.memory_space<hbm>>
      tpu.enqueue_dma source(%dma_start3A_106 : memref<3600xi32, #tpu.memory_space<hbm>>) target(%arg9 : memref<3600xi32, #tpu.memory_space<vmem>>) target_semaphore(%run_scoped3A : memref<!tpu.dma_semaphore, #tpu.memory_space<semaphore_mem>>)
      %dma_wait3A_107 = tpu.memref_slice %arg2[%mul3A_2] : memref<115200xi32, #tpu.memory_space<hbm>> -> memref<3600xi32, #tpu.memory_space<hbm>>
      %dma_wait3A_108 = tpu.memref_slice %arg2[%mul3A_2] : memref<115200xi32, #tpu.memory_space<hbm>> -> memref<3600xi32, #tpu.memory_space<hbm>>
      tpu.wait_dma2 semaphore(%run_scoped3A : memref<!tpu.dma_semaphore, #tpu.memory_space<semaphore_mem>>) src(%dma_wait3A_108 : memref<3600xi32, #tpu.memory_space<hbm>>) dst(%arg9 : memref<3600xi32, #tpu.memory_space<vmem>>)
      tpu.yield
    }) : () -> ()
    %barrier3A = arith.constant 0 : index
    tpu.barrier barrier_id(%barrier3A)
    %scan3A = arith.constant 0 : i32
    %scan3A_5 = arith.constant 0 : i32
    %scan3A_6 = arith.constant 225 : i32
    %scan3A_7 = arith.addi %scan3A_5, %scan3A_6 : i32
    %scan3A_8 = arith.constant 1 : i32
    scf.for %scan3A_105 = %scan3A_5 to %scan3A_7 step %scan3A_8  : i32 {
      %mul3A_106 = arith.constant 16 : i32
      %mul3A_107 = arith.muli %scan3A_105, %mul3A_106 : i32
      %get3A = arith.index_cast %mul3A_107 : i32 to index
      %get3A_108 = tpu.vector_load %arg9[%get3A] {strides = array<i32>} : memref<3600xi32, #tpu.memory_space<vmem>>, vector<16xi32>,
      %get3A_109 = vector.shape_cast %get3A_108 : vector<16xi32> to vector<16xi32>
      %and3A = arith.constant 63 : i32
      %and3A_110 = vector.broadcast %and3A : i32 to vector<16xi32>
      %and3A_111 = arith.andi %get3A_109, %and3A_110 : vector<16xi32>
      %swap3A = arith.index_cast %mul3A_107 : i32 to index
      %swap3A_112 = tpu.vector_load %arg9[%swap3A] {strides = array<i32>} : memref<3600xi32, #tpu.memory_space<vmem>>, vector<16xi32>,
      %swap3A_113 = vector.shape_cast %swap3A_112 : vector<16xi32> to vector<16xi32>
      %swap3A_114 = vector.shape_cast %and3A_111 : vector<16xi32> to vector<16xi32>
      tpu.vector_store %arg9[%swap3A], %swap3A_114 {strides = array<i32>} : memref<3600xi32, #tpu.memory_space<vmem>>, vector<16xi32>,
    }
    %scan3A_9 = arith.constant 225 : i32
    %dma_start3A = arith.constant 0 : i32
    %dma_start3A_10 = tpu.memref_slice %arg9[%dma_start3A] : memref<3600xi32, #tpu.memory_space<vmem>> -> memref<240xi32, #tpu.memory_space<vmem>>
    %dma_start3A_11 = arith.constant 0 : i32
    %dma_start3A_12 = arith.constant 0 : i32
    %dma_start3A_13 = tpu.memref_slice %arg5[%dma_start3A_11, %dma_start3A_12] : memref<64x128xf32, #tpu.memory_space<vmem_shared>> -> memref<64x128xf32, #tpu.memory_space<vmem_shared>>
    tpu.enqueue_indirect_dma source(%dma_start3A_13 : memref<64x128xf32, #tpu.memory_space<vmem_shared>>) target(%arg6 : memref<240x128xf32, #tpu.memory_space<vmem>>) offsets(%dma_start3A_10 : memref<240xi32, #tpu.memory_space<vmem>>) semaphore(%arg10 : memref<!tpu.dma_semaphore, #tpu.memory_space<semaphore_mem>>)
    %dma_start3A_14 = arith.constant 240 : i32
    %dma_start3A_15 = tpu.memref_slice %arg9[%dma_start3A_14] : memref<3600xi32, #tpu.memory_space<vmem>> -> memref<240xi32, #tpu.memory_space<vmem>>
    %dma_start3A_16 = arith.constant 0 : i32
    %dma_start3A_17 = arith.constant 0 : i32
    %dma_start3A_18 = tpu.memref_slice %arg5[%dma_start3A_16, %dma_start3A_17] : memref<64x128xf32, #tpu.memory_space<vmem_shared>> -> memref<64x128xf32, #tpu.memory_space<vmem_shared>>
    tpu.enqueue_indirect_dma source(%dma_start3A_18 : memref<64x128xf32, #tpu.memory_space<vmem_shared>>) target(%arg7 : memref<240x128xf32, #tpu.memory_space<vmem>>) offsets(%dma_start3A_15 : memref<240xi32, #tpu.memory_space<vmem>>) semaphore(%arg11 : memref<!tpu.dma_semaphore, #tpu.memory_space<semaphore_mem>>)
    %dma_start3A_19 = arith.constant 480 : i32
    %dma_start3A_20 = tpu.memref_slice %arg9[%dma_start3A_19] : memref<3600xi32, #tpu.memory_space<vmem>> -> memref<240xi32, #tpu.memory_space<vmem>>
    %dma_start3A_21 = arith.constant 0 : i32
    %dma_start3A_22 = arith.constant 0 : i32
    %dma_start3A_23 = tpu.memref_slice %arg5[%dma_start3A_21, %dma_start3A_22] : memref<64x128xf32, #tpu.memory_space<vmem_shared>> -> memref<64x128xf32, #tpu.memory_space<vmem_shared>>
    tpu.enqueue_indirect_dma source(%dma_start3A_23 : memref<64x128xf32, #tpu.memory_space<vmem_shared>>) target(%arg8 : memref<240x128xf32, #tpu.memory_space<vmem>>) offsets(%dma_start3A_20 : memref<240xi32, #tpu.memory_space<vmem>>) semaphore(%arg12 : memref<!tpu.dma_semaphore, #tpu.memory_space<semaphore_mem>>)
    %dma_wait3A = arith.constant 0 : i32
    %dma_wait3A_24 = arith.constant 0 : i32
    %dma_wait3A_25 = tpu.memref_slice %arg4[%dma_wait3A, %dma_wait3A_24] : memref<115200x128xf32, #tpu.memory_space<hbm>> -> memref<240x128xf32, #tpu.memory_space<hbm>>
    %dma_wait3A_26 = arith.constant 0 : i32
    %dma_wait3A_27 = arith.constant 0 : i32
    %dma_wait3A_28 = tpu.memref_slice %arg4[%dma_wait3A_26, %dma_wait3A_27] : memref<115200x128xf32, #tpu.memory_space<hbm>> -> memref<240x128xf32, #tpu.memory_space<hbm>>
    tpu.wait_dma2 semaphore(%arg10 : memref<!tpu.dma_semaphore, #tpu.memory_space<semaphore_mem>>) src(%dma_wait3A_28 : memref<240x128xf32, #tpu.memory_space<hbm>>) dst(%arg6 : memref<240x128xf32, #tpu.memory_space<vmem>>)
    %add3A_29 = arith.constant 0 : i32
    %add3A_30 = arith.addi %mul3A_2, %add3A_29 : i32
    %dma_start3A_31 = arith.constant 0 : i32
    %dma_start3A_32 = tpu.memref_slice %arg4[%add3A_30, %dma_start3A_31] : memref<115200x128xf32, #tpu.memory_space<hbm>> -> memref<240x128xf32, #tpu.memory_space<hbm>>
    %dma_start3A_33 = arith.constant 0 : i32
    %dma_start3A_34 = tpu.memref_slice %arg4[%add3A_30, %dma_start3A_33] : memref<115200x128xf32, #tpu.memory_space<hbm>> -> memref<240x128xf32, #tpu.memory_space<hbm>>
    tpu.enqueue_dma source(%arg6 : memref<240x128xf32, #tpu.memory_space<vmem>>) target(%dma_start3A_34 : memref<240x128xf32, #tpu.memory_space<hbm>>) target_semaphore(%arg13 : memref<!tpu.dma_semaphore, #tpu.memory_space<semaphore_mem>>)
    %dma_wait3A_35 = arith.constant 0 : i32
    %dma_wait3A_36 = arith.constant 0 : i32
    %dma_wait3A_37 = tpu.memref_slice %arg4[%dma_wait3A_35, %dma_wait3A_36] : memref<115200x128xf32, #tpu.memory_space<hbm>> -> memref<240x128xf32, #tpu.memory_space<hbm>>
    %dma_wait3A_38 = arith.constant 0 : i32
    %dma_wait3A_39 = arith.constant 0 : i32
    %dma_wait3A_40 = tpu.memref_slice %arg4[%dma_wait3A_38, %dma_wait3A_39] : memref<115200x128xf32, #tpu.memory_space<hbm>> -> memref<240x128xf32, #tpu.memory_space<hbm>>
    tpu.wait_dma2 semaphore(%arg13 : memref<!tpu.dma_semaphore, #tpu.memory_space<semaphore_mem>>) src(%arg6 : memref<240x128xf32, #tpu.memory_space<vmem>>) dst(%dma_wait3A_40 : memref<240x128xf32, #tpu.memory_space<hbm>>)
    %dma_start3A_41 = arith.constant 720 : i32
    %dma_start3A_42 = tpu.memref_slice %arg9[%dma_start3A_41] : memref<3600xi32, #tpu.memory_space<vmem>> -> memref<240xi32, #tpu.memory_space<vmem>>
    %dma_start3A_43 = arith.constant 0 : i32
    %dma_start3A_44 = arith.constant 0 : i32
    %dma_start3A_45 = tpu.memref_slice %arg5[%dma_start3A_43, %dma_start3A_44] : memref<64x128xf32, #tpu.memory_space<vmem_shared>> -> memref<64x128xf32, #tpu.memory_space<vmem_shared>>
    tpu.enqueue_indirect_dma source(%dma_start3A_45 : memref<64x128xf32, #tpu.memory_space<vmem_shared>>) target(%arg6 : memref<240x128xf32, #tpu.memory_space<vmem>>) offsets(%dma_start3A_42 : memref<240xi32, #tpu.memory_space<vmem>>) semaphore(%arg10 : memref<!tpu.dma_semaphore, #tpu.memory_space<semaphore_mem>>)
    %dma_wait3A_46 = arith.constant 0 : i32
    %dma_wait3A_47 = arith.constant 0 : i32
    %dma_wait3A_48 = tpu.memref_slice %arg4[%dma_wait3A_46, %dma_wait3A_47] : memref<115200x128xf32, #tpu.memory_space<hbm>> -> memref<240x128xf32, #tpu.memory_space<hbm>>
    %dma_wait3A_49 = arith.constant 0 : i32
    %dma_wait3A_50 = arith.constant 0 : i32
    %dma_wait3A_51 = tpu.memref_slice %arg4[%dma_wait3A_49, %dma_wait3A_50] : memref<115200x128xf32, #tpu.memory_space<hbm>> -> memref<240x128xf32, #tpu.memory_space<hbm>>
    tpu.wait_dma2 semaphore(%arg11 : memref<!tpu.dma_semaphore, #tpu.memory_space<semaphore_mem>>) src(%dma_wait3A_51 : memref<240x128xf32, #tpu.memory_space<hbm>>) dst(%arg7 : memref<240x128xf32, #tpu.memory_space<vmem>>)
    %add3A_52 = arith.constant 240 : i32
    %add3A_53 = arith.addi %mul3A_2, %add3A_52 : i32
    %dma_start3A_54 = arith.constant 0 : i32
    %dma_start3A_55 = tpu.memref_slice %arg4[%add3A_53, %dma_start3A_54] : memref<115200x128xf32, #tpu.memory_space<hbm>> -> memref<240x128xf32, #tpu.memory_space<hbm>>
    %dma_start3A_56 = arith.constant 0 : i32
    %dma_start3A_57 = tpu.memref_slice %arg4[%add3A_53, %dma_start3A_56] : memref<115200x128xf32, #tpu.memory_space<hbm>> -> memref<240x128xf32, #tpu.memory_space<hbm>>
    tpu.enqueue_dma source(%arg7 : memref<240x128xf32, #tpu.memory_space<vmem>>) target(%dma_start3A_57 : memref<240x128xf32, #tpu.memory_space<hbm>>) target_semaphore(%arg14 : memref<!tpu.dma_semaphore, #tpu.memory_space<semaphore_mem>>)
    %dma_wait3A_58 = arith.constant 0 : i32
    %dma_wait3A_59 = arith.constant 0 : i32
    %dma_wait3A_60 = tpu.memref_slice %arg4[%dma_wait3A_58, %dma_wait3A_59] : memref<115200x128xf32, #tpu.memory_space<hbm>> -> memref<240x128xf32, #tpu.memory_space<hbm>>
    %dma_wait3A_61 = arith.constant 0 : i32
    %dma_wait3A_62 = arith.constant 0 : i32
    %dma_wait3A_63 = tpu.memref_slice %arg4[%dma_wait3A_61, %dma_wait3A_62] : memref<115200x128xf32, #tpu.memory_space<hbm>> -> memref<240x128xf32, #tpu.memory_space<hbm>>
    tpu.wait_dma2 semaphore(%arg14 : memref<!tpu.dma_semaphore, #tpu.memory_space<semaphore_mem>>) src(%arg7 : memref<240x128xf32, #tpu.memory_space<vmem>>) dst(%dma_wait3A_63 : memref<240x128xf32, #tpu.memory_space<hbm>>)
    %dma_start3A_64 = arith.constant 960 : i32
    %dma_start3A_65 = tpu.memref_slice %arg9[%dma_start3A_64] : memref<3600xi32, #tpu.memory_space<vmem>> -> memref<240xi32, #tpu.memory_space<vmem>>
    %dma_start3A_66 = arith.constant 0 : i32
    %dma_start3A_67 = arith.constant 0 : i32
    %dma_start3A_68 = tpu.memref_slice %arg5[%dma_start3A_66, %dma_start3A_67] : memref<64x128xf32, #tpu.memory_space<vmem_shared>> -> memref<64x128xf32, #tpu.memory_space<vmem_shared>>
    tpu.enqueue_indirect_dma source(%dma_start3A_68 : memref<64x128xf32, #tpu.memory_space<vmem_shared>>) target(%arg7 : memref<240x128xf32, #tpu.memory_space<vmem>>) offsets(%dma_start3A_65 : memref<240xi32, #tpu.memory_space<vmem>>) semaphore(%arg11 : memref<!tpu.dma_semaphore, #tpu.memory_space<semaphore_mem>>)
    %dma_wait3A_69 = arith.constant 0 : i32
    %dma_wait3A_70 = arith.constant 0 : i32
    %dma_wait3A_71 = tpu.memref_slice %arg4[%dma_wait3A_69, %dma_wait3A_70] : memref<115200x128xf32, #tpu.memory_space<hbm>> -> memref<240x128xf32, #tpu.memory_space<hbm>>
    %dma_wait3A_72 = arith.constant 0 : i32
    %dma_wait3A_73 = arith.constant 0 : i32
    %dma_wait3A_74 = tpu.memref_slice %arg4[%dma_wait3A_72, %dma_wait3A_73] : memref<115200x128xf32, #tpu.memory_space<hbm>> -> memref<240x128xf32, #tpu.memory_space<hbm>>
    tpu.wait_dma2 semaphore(%arg12 : memref<!tpu.dma_semaphore, #tpu.memory_space<semaphore_mem>>) src(%dma_wait3A_74 : memref<240x128xf32, #tpu.memory_space<hbm>>) dst(%arg8 : memref<240x128xf32, #tpu.memory_space<vmem>>)
    %add3A_75 = arith.constant 480 : i32
    %add3A_76 = arith.addi %mul3A_2, %add3A_75 : i32
    %dma_start3A_77 = arith.constant 0 : i32
    %dma_start3A_78 = tpu.memref_slice %arg4[%add3A_76, %dma_start3A_77] : memref<115200x128xf32, #tpu.memory_space<hbm>> -> memref<240x128xf32, #tpu.memory_space<hbm>>
    %dma_start3A_79 = arith.constant 0 : i32
    %dma_start3A_80 = tpu.memref_slice %arg4[%add3A_76, %dma_start3A_79] : memref<115200x128xf32, #tpu.memory_space<hbm>> -> memref<240x128xf32, #tpu.memory_space<hbm>>
    tpu.enqueue_dma source(%arg8 : memref<240x128xf32, #tpu.memory_space<vmem>>) target(%dma_start3A_80 : memref<240x128xf32, #tpu.memory_space<hbm>>) target_semaphore(%arg15 : memref<!tpu.dma_semaphore, #tpu.memory_space<semaphore_mem>>)
    %scan3A_81 = arith.constant 0 : i32
    %scan3A_82 = arith.constant 1 : i32
    %scan3A_83 = arith.constant 4 : i32
    %scan3A_84 = arith.addi %scan3A_82, %scan3A_83 : i32
    %scan3A_85 = arith.constant 1 : i32
    scf.for %scan3A_105 = %scan3A_82 to %scan3A_84 step %scan3A_85  : i32 {
      %mul3A_106 = arith.constant 3 : i32
      %mul3A_107 = arith.muli %mul3A_106, %scan3A_105 : i32
      %add3A_108 = arith.constant 0 : i32
      %add3A_109 = arith.addi %mul3A_107, %add3A_108 : i32
      %add3A_110 = arith.constant 2 : i32
      %add3A_111 = arith.addi %add3A_109, %add3A_110 : i32
      %lt3A = arith.constant 15 : i32
      %lt3A_112 = arith.cmpi slt, %add3A_111, %lt3A : i32
      %convert_element_type3A_113 = arith.extui %lt3A_112 : i1 to i32
      %cond3A_114 = arith.constant 0 : i32
      %cond3A_115 = arith.cmpi ne, %convert_element_type3A_113, %cond3A_114 : i32
      scf.if %cond3A_115 {
        %dma_wait3A_177 = arith.constant 0 : i32
        %dma_wait3A_178 = arith.constant 0 : i32
        %dma_wait3A_179 = tpu.memref_slice %arg4[%dma_wait3A_177, %dma_wait3A_178] : memref<115200x128xf32, #tpu.memory_space<hbm>> -> memref<240x128xf32, #tpu.memory_space<hbm>>
        %dma_wait3A_180 = arith.constant 0 : i32
        %dma_wait3A_181 = arith.constant 0 : i32
        %dma_wait3A_182 = tpu.memref_slice %arg4[%dma_wait3A_180, %dma_wait3A_181] : memref<115200x128xf32, #tpu.memory_space<hbm>> -> memref<240x128xf32, #tpu.memory_space<hbm>>
        tpu.wait_dma2 semaphore(%arg15 : memref<!tpu.dma_semaphore, #tpu.memory_space<semaphore_mem>>) src(%arg8 : memref<240x128xf32, #tpu.memory_space<vmem>>) dst(%dma_wait3A_182 : memref<240x128xf32, #tpu.memory_space<hbm>>)
        %add3A_183 = arith.constant 2 : i32
        %add3A_184 = arith.addi %add3A_109, %add3A_183 : i32
        %mul3A_185 = arith.constant 240 : i32
        %mul3A_186 = arith.muli %add3A_184, %mul3A_185 : i32
        %dma_start3A_187 = tpu.memref_slice %arg9[%mul3A_186] : memref<3600xi32, #tpu.memory_space<vmem>> -> memref<240xi32, #tpu.memory_space<vmem>>
        %dma_start3A_188 = arith.constant 0 : i32
        %dma_start3A_189 = arith.constant 0 : i32
        %dma_start3A_190 = tpu.memref_slice %arg5[%dma_start3A_188, %dma_start3A_189] : memref<64x128xf32, #tpu.memory_space<vmem_shared>> -> memref<64x128xf32, #tpu.memory_space<vmem_shared>>
        tpu.enqueue_indirect_dma source(%dma_start3A_190 : memref<64x128xf32, #tpu.memory_space<vmem_shared>>) target(%arg8 : memref<240x128xf32, #tpu.memory_space<vmem>>) offsets(%dma_start3A_187 : memref<240xi32, #tpu.memory_space<vmem>>) semaphore(%arg12 : memref<!tpu.dma_semaphore, #tpu.memory_space<semaphore_mem>>)
      } else {
      }
      %dma_wait3A_116 = arith.constant 0 : i32
      %dma_wait3A_117 = arith.constant 0 : i32
      %dma_wait3A_118 = tpu.memref_slice %arg4[%dma_wait3A_116, %dma_wait3A_117] : memref<115200x128xf32, #tpu.memory_space<hbm>> -> memref<240x128xf32, #tpu.memory_space<hbm>>
      %dma_wait3A_119 = arith.constant 0 : i32
      %dma_wait3A_120 = arith.constant 0 : i32
      %dma_wait3A_121 = tpu.memref_slice %arg4[%dma_wait3A_119, %dma_wait3A_120] : memref<115200x128xf32, #tpu.memory_space<hbm>> -> memref<240x128xf32, #tpu.memory_space<hbm>>
      tpu.wait_dma2 semaphore(%arg10 : memref<!tpu.dma_semaphore, #tpu.memory_space<semaphore_mem>>) src(%dma_wait3A_121 : memref<240x128xf32, #tpu.memory_space<hbm>>) dst(%arg6 : memref<240x128xf32, #tpu.memory_space<vmem>>)
      %mul3A_122 = arith.constant 240 : i32
      %mul3A_123 = arith.muli %add3A_109, %mul3A_122 : i32
      %add3A_124 = arith.addi %mul3A_2, %mul3A_123 : i32
      %dma_start3A_125 = arith.constant 0 : i32
      %dma_start3A_126 = tpu.memref_slice %arg4[%add3A_124, %dma_start3A_125] : memref<115200x128xf32, #tpu.memory_space<hbm>> -> memref<240x128xf32, #tpu.memory_space<hbm>>
      %dma_start3A_127 = arith.constant 0 : i32
      %dma_start3A_128 = tpu.memref_slice %arg4[%add3A_124, %dma_start3A_127] : memref<115200x128xf32, #tpu.memory_space<hbm>> -> memref<240x128xf32, #tpu.memory_space<hbm>>
      tpu.enqueue_dma source(%arg6 : memref<240x128xf32, #tpu.memory_space<vmem>>) target(%dma_start3A_128 : memref<240x128xf32, #tpu.memory_space<hbm>>) target_semaphore(%arg13 : memref<!tpu.dma_semaphore, #tpu.memory_space<semaphore_mem>>)
      %mul3A_129 = arith.constant 3 : i32
      %mul3A_130 = arith.muli %mul3A_129, %scan3A_105 : i32
      %add3A_131 = arith.constant 1 : i32
      %add3A_132 = arith.addi %mul3A_130, %add3A_131 : i32
      %add3A_133 = arith.constant 2 : i32
      %add3A_134 = arith.addi %add3A_132, %add3A_133 : i32
      %lt3A_135 = arith.constant 15 : i32
      %lt3A_136 = arith.cmpi slt, %add3A_134, %lt3A_135 : i32
      %convert_element_type3A_137 = arith.extui %lt3A_136 : i1 to i32
      %cond3A_138 = arith.constant 0 : i32
      %cond3A_139 = arith.cmpi ne, %convert_element_type3A_137, %cond3A_138 : i32
      scf.if %cond3A_139 {
        %dma_wait3A_177 = arith.constant 0 : i32
        %dma_wait3A_178 = arith.constant 0 : i32
        %dma_wait3A_179 = tpu.memref_slice %arg4[%dma_wait3A_177, %dma_wait3A_178] : memref<115200x128xf32, #tpu.memory_space<hbm>> -> memref<240x128xf32, #tpu.memory_space<hbm>>
        %dma_wait3A_180 = arith.constant 0 : i32
        %dma_wait3A_181 = arith.constant 0 : i32
        %dma_wait3A_182 = tpu.memref_slice %arg4[%dma_wait3A_180, %dma_wait3A_181] : memref<115200x128xf32, #tpu.memory_space<hbm>> -> memref<240x128xf32, #tpu.memory_space<hbm>>
        tpu.wait_dma2 semaphore(%arg13 : memref<!tpu.dma_semaphore, #tpu.memory_space<semaphore_mem>>) src(%arg6 : memref<240x128xf32, #tpu.memory_space<vmem>>) dst(%dma_wait3A_182 : memref<240x128xf32, #tpu.memory_space<hbm>>)
        %add3A_183 = arith.constant 2 : i32
        %add3A_184 = arith.addi %add3A_132, %add3A_183 : i32
        %mul3A_185 = arith.constant 240 : i32
        %mul3A_186 = arith.muli %add3A_184, %mul3A_185 : i32
        %dma_start3A_187 = tpu.memref_slice %arg9[%mul3A_186] : memref<3600xi32, #tpu.memory_space<vmem>> -> memref<240xi32, #tpu.memory_space<vmem>>
        %dma_start3A_188 = arith.constant 0 : i32
        %dma_start3A_189 = arith.constant 0 : i32
        %dma_start3A_190 = tpu.memref_slice %arg5[%dma_start3A_188, %dma_start3A_189] : memref<64x128xf32, #tpu.memory_space<vmem_shared>> -> memref<64x128xf32, #tpu.memory_space<vmem_shared>>
        tpu.enqueue_indirect_dma source(%dma_start3A_190 : memref<64x128xf32, #tpu.memory_space<vmem_shared>>) target(%arg6 : memref<240x128xf32, #tpu.memory_space<vmem>>) offsets(%dma_start3A_187 : memref<240xi32, #tpu.memory_space<vmem>>) semaphore(%arg10 : memref<!tpu.dma_semaphore, #tpu.memory_space<semaphore_mem>>)
      } else {
      }
      %dma_wait3A_140 = arith.constant 0 : i32
      %dma_wait3A_141 = arith.constant 0 : i32
      %dma_wait3A_142 = tpu.memref_slice %arg4[%dma_wait3A_140, %dma_wait3A_141] : memref<115200x128xf32, #tpu.memory_space<hbm>> -> memref<240x128xf32, #tpu.memory_space<hbm>>
      %dma_wait3A_143 = arith.constant 0 : i32
      %dma_wait3A_144 = arith.constant 0 : i32
      %dma_wait3A_145 = tpu.memref_slice %arg4[%dma_wait3A_143, %dma_wait3A_144] : memref<115200x128xf32, #tpu.memory_space<hbm>> -> memref<240x128xf32, #tpu.memory_space<hbm>>
      tpu.wait_dma2 semaphore(%arg11 : memref<!tpu.dma_semaphore, #tpu.memory_space<semaphore_mem>>) src(%dma_wait3A_145 : memref<240x128xf32, #tpu.memory_space<hbm>>) dst(%arg7 : memref<240x128xf32, #tpu.memory_space<vmem>>)
      %mul3A_146 = arith.constant 240 : i32
      %mul3A_147 = arith.muli %add3A_132, %mul3A_146 : i32
      %add3A_148 = arith.addi %mul3A_2, %mul3A_147 : i32
      %dma_start3A_149 = arith.constant 0 : i32
      %dma_start3A_150 = tpu.memref_slice %arg4[%add3A_148, %dma_start3A_149] : memref<115200x128xf32, #tpu.memory_space<hbm>> -> memref<240x128xf32, #tpu.memory_space<hbm>>
      %dma_start3A_151 = arith.constant 0 : i32
      %dma_start3A_152 = tpu.memref_slice %arg4[%add3A_148, %dma_start3A_151] : memref<115200x128xf32, #tpu.memory_space<hbm>> -> memref<240x128xf32, #tpu.memory_space<hbm>>
      tpu.enqueue_dma source(%arg7 : memref<240x128xf32, #tpu.memory_space<vmem>>) target(%dma_start3A_152 : memref<240x128xf32, #tpu.memory_space<hbm>>) target_semaphore(%arg14 : memref<!tpu.dma_semaphore, #tpu.memory_space<semaphore_mem>>)
      %mul3A_153 = arith.constant 3 : i32
      %mul3A_154 = arith.muli %mul3A_153, %scan3A_105 : i32
      %add3A_155 = arith.constant 2 : i32
      %add3A_156 = arith.addi %mul3A_154, %add3A_155 : i32
      %add3A_157 = arith.constant 2 : i32
      %add3A_158 = arith.addi %add3A_156, %add3A_157 : i32
      %lt3A_159 = arith.constant 15 : i32
      %lt3A_160 = arith.cmpi slt, %add3A_158, %lt3A_159 : i32
      %convert_element_type3A_161 = arith.extui %lt3A_160 : i1 to i32
      %cond3A_162 = arith.constant 0 : i32
      %cond3A_163 = arith.cmpi ne, %convert_element_type3A_161, %cond3A_162 : i32
      scf.if %cond3A_163 {
        %dma_wait3A_177 = arith.constant 0 : i32
        %dma_wait3A_178 = arith.constant 0 : i32
        %dma_wait3A_179 = tpu.memref_slice %arg4[%dma_wait3A_177, %dma_wait3A_178] : memref<115200x128xf32, #tpu.memory_space<hbm>> -> memref<240x128xf32, #tpu.memory_space<hbm>>
        %dma_wait3A_180 = arith.constant 0 : i32
        %dma_wait3A_181 = arith.constant 0 : i32
        %dma_wait3A_182 = tpu.memref_slice %arg4[%dma_wait3A_180, %dma_wait3A_181] : memref<115200x128xf32, #tpu.memory_space<hbm>> -> memref<240x128xf32, #tpu.memory_space<hbm>>
        tpu.wait_dma2 semaphore(%arg14 : memref<!tpu.dma_semaphore, #tpu.memory_space<semaphore_mem>>) src(%arg7 : memref<240x128xf32, #tpu.memory_space<vmem>>) dst(%dma_wait3A_182 : memref<240x128xf32, #tpu.memory_space<hbm>>)
        %add3A_183 = arith.constant 2 : i32
        %add3A_184 = arith.addi %add3A_156, %add3A_183 : i32
        %mul3A_185 = arith.constant 240 : i32
        %mul3A_186 = arith.muli %add3A_184, %mul3A_185 : i32
        %dma_start3A_187 = tpu.memref_slice %arg9[%mul3A_186] : memref<3600xi32, #tpu.memory_space<vmem>> -> memref<240xi32, #tpu.memory_space<vmem>>
        %dma_start3A_188 = arith.constant 0 : i32
        %dma_start3A_189 = arith.constant 0 : i32
        %dma_start3A_190 = tpu.memref_slice %arg5[%dma_start3A_188, %dma_start3A_189] : memref<64x128xf32, #tpu.memory_space<vmem_shared>> -> memref<64x128xf32, #tpu.memory_space<vmem_shared>>
        tpu.enqueue_indirect_dma source(%dma_start3A_190 : memref<64x128xf32, #tpu.memory_space<vmem_shared>>) target(%arg7 : memref<240x128xf32, #tpu.memory_space<vmem>>) offsets(%dma_start3A_187 : memref<240xi32, #tpu.memory_space<vmem>>) semaphore(%arg11 : memref<!tpu.dma_semaphore, #tpu.memory_space<semaphore_mem>>)
      } else {
      }
      %dma_wait3A_164 = arith.constant 0 : i32
      %dma_wait3A_165 = arith.constant 0 : i32
      %dma_wait3A_166 = tpu.memref_slice %arg4[%dma_wait3A_164, %dma_wait3A_165] : memref<115200x128xf32, #tpu.memory_space<hbm>> -> memref<240x128xf32, #tpu.memory_space<hbm>>
      %dma_wait3A_167 = arith.constant 0 : i32
      %dma_wait3A_168 = arith.constant 0 : i32
      %dma_wait3A_169 = tpu.memref_slice %arg4[%dma_wait3A_167, %dma_wait3A_168] : memref<115200x128xf32, #tpu.memory_space<hbm>> -> memref<240x128xf32, #tpu.memory_space<hbm>>
      tpu.wait_dma2 semaphore(%arg12 : memref<!tpu.dma_semaphore, #tpu.memory_space<semaphore_mem>>) src(%dma_wait3A_169 : memref<240x128xf32, #tpu.memory_space<hbm>>) dst(%arg8 : memref<240x128xf32, #tpu.memory_space<vmem>>)
      %mul3A_170 = arith.constant 240 : i32
      %mul3A_171 = arith.muli %add3A_156, %mul3A_170 : i32
      %add3A_172 = arith.addi %mul3A_2, %mul3A_171 : i32
      %dma_start3A_173 = arith.constant 0 : i32
      %dma_start3A_174 = tpu.memref_slice %arg4[%add3A_172, %dma_start3A_173] : memref<115200x128xf32, #tpu.memory_space<hbm>> -> memref<240x128xf32, #tpu.memory_space<hbm>>
      %dma_start3A_175 = arith.constant 0 : i32
      %dma_start3A_176 = tpu.memref_slice %arg4[%add3A_172, %dma_start3A_175] : memref<115200x128xf32, #tpu.memory_space<hbm>> -> memref<240x128xf32, #tpu.memory_space<hbm>>
      tpu.enqueue_dma source(%arg8 : memref<240x128xf32, #tpu.memory_space<vmem>>) target(%dma_start3A_176 : memref<240x128xf32, #tpu.memory_space<hbm>>) target_semaphore(%arg15 : memref<!tpu.dma_semaphore, #tpu.memory_space<semaphore_mem>>)
    }
    %scan3A_86 = arith.constant 4 : i32
    %dma_wait3A_87 = arith.constant 0 : i32
    %dma_wait3A_88 = arith.constant 0 : i32
    %dma_wait3A_89 = tpu.memref_slice %arg4[%dma_wait3A_87, %dma_wait3A_88] : memref<115200x128xf32, #tpu.memory_space<hbm>> -> memref<240x128xf32, #tpu.memory_space<hbm>>
    %dma_wait3A_90 = arith.constant 0 : i32
    %dma_wait3A_91 = arith.constant 0 : i32
    %dma_wait3A_92 = tpu.memref_slice %arg4[%dma_wait3A_90, %dma_wait3A_91] : memref<115200x128xf32, #tpu.memory_space<hbm>> -> memref<240x128xf32, #tpu.memory_space<hbm>>
    tpu.wait_dma2 semaphore(%arg13 : memref<!tpu.dma_semaphore, #tpu.memory_space<semaphore_mem>>) src(%arg6 : memref<240x128xf32, #tpu.memory_space<vmem>>) dst(%dma_wait3A_92 : memref<240x128xf32, #tpu.memory_space<hbm>>)
    %dma_wait3A_93 = arith.constant 0 : i32
    %dma_wait3A_94 = arith.constant 0 : i32
    %dma_wait3A_95 = tpu.memref_slice %arg4[%dma_wait3A_93, %dma_wait3A_94] : memref<115200x128xf32, #tpu.memory_space<hbm>> -> memref<240x128xf32, #tpu.memory_space<hbm>>
    %dma_wait3A_96 = arith.constant 0 : i32
    %dma_wait3A_97 = arith.constant 0 : i32
    %dma_wait3A_98 = tpu.memref_slice %arg4[%dma_wait3A_96, %dma_wait3A_97] : memref<115200x128xf32, #tpu.memory_space<hbm>> -> memref<240x128xf32, #tpu.memory_space<hbm>>
    tpu.wait_dma2 semaphore(%arg14 : memref<!tpu.dma_semaphore, #tpu.memory_space<semaphore_mem>>) src(%arg7 : memref<240x128xf32, #tpu.memory_space<vmem>>) dst(%dma_wait3A_98 : memref<240x128xf32, #tpu.memory_space<hbm>>)
    %dma_wait3A_99 = arith.constant 0 : i32
    %dma_wait3A_100 = arith.constant 0 : i32
    %dma_wait3A_101 = tpu.memref_slice %arg4[%dma_wait3A_99, %dma_wait3A_100] : memref<115200x128xf32, #tpu.memory_space<hbm>> -> memref<240x128xf32, #tpu.memory_space<hbm>>
    %dma_wait3A_102 = arith.constant 0 : i32
    %dma_wait3A_103 = arith.constant 0 : i32
    %dma_wait3A_104 = tpu.memref_slice %arg4[%dma_wait3A_102, %dma_wait3A_103] : memref<115200x128xf32, #tpu.memory_space<hbm>> -> memref<240x128xf32, #tpu.memory_space<hbm>>
    tpu.wait_dma2 semaphore(%arg15 : memref<!tpu.dma_semaphore, #tpu.memory_space<semaphore_mem>>) src(%arg8 : memref<240x128xf32, #tpu.memory_space<vmem>>) dst(%dma_wait3A_104 : memref<240x128xf32, #tpu.memory_space<hbm>>)
    return
  }
}

module attributes {stable_mosaic.version = 14 : i64} {
  func.func @_add_body(%arg0: i32, %arg1: memref<1x30x128x256xf32, #tpu.memory_space<vmem>>, %arg2: memref<1x30x128xf32, #tpu.memory_space<vmem>>, %arg3: memref<3840x128xf32, #tpu.memory_space<vmem>>, %arg4: memref<1x30x128x256xf32, #tpu.memory_space<vmem>>) attributes {dimension_semantics = [#tpu.dimension_semantics<arbitrary>], iteration_bounds = array<i64: 30>, scalar_prefetch = 0 : i64, scratch_operands = 0 : i64, tpu.core_type = #tpu.core_type<tc>, window_params = [{transform_indices = @transform_0, window_bounds = array<i64: 1, 30, 128, 256>}, {transform_indices = @transform_1, window_bounds = array<i64: 1, 30, 128>}, {transform_indices = @transform_2, window_bounds = array<i64: 3840, 128>}, {transform_indices = @transform_3, window_bounds = array<i64: 1, 30, 128, 256>}]} {
    %get3A = arith.constant 0 : index
    %get3A_0 = arith.constant 0 : index
    %get3A_1 = arith.constant 0 : index
    %get3A_2 = vector.load %arg2[%get3A, %get3A_0, %get3A_1] : memref<1x30x128xf32, #tpu.memory_space<vmem>>, vector<1x30x128xf32>
    %get3A_3 = arith.constant 0 : index
    %get3A_4 = arith.constant 0 : index
    %get3A_5 = vector.load %arg3[%get3A_3, %get3A_4] : memref<3840x128xf32, #tpu.memory_space<vmem>>, vector<3840x128xf32>
    %get3A_6 = arith.constant 0 : index
    %get3A_7 = arith.constant 0 : index
    %get3A_8 = arith.constant 0 : index
    %get3A_9 = arith.constant 0 : index
    %get3A_10 = vector.load %arg1[%get3A_6, %get3A_7, %get3A_8, %get3A_9] : memref<1x30x128x256xf32, #tpu.memory_space<vmem>>, vector<1x30x128x128xf32>
    %broadcast_in_dim3A = vector.shape_cast %get3A_2 : vector<1x30x128xf32> to vector<1x30x1x128xf32>
    %add3A = vector.broadcast %broadcast_in_dim3A : vector<1x30x1x128xf32> to vector<1x30x128x128xf32>
    %add3A_11 = arith.addf %get3A_10, %add3A : vector<1x30x128x128xf32>
    %swap3A = arith.constant 0 : index
    %swap3A_12 = arith.constant 0 : index
    %swap3A_13 = arith.constant 0 : index
    %swap3A_14 = arith.constant 0 : index
    %swap3A_15 = vector.load %arg4[%swap3A, %swap3A_12, %swap3A_13, %swap3A_14] : memref<1x30x128x256xf32, #tpu.memory_space<vmem>>, vector<1x30x128x128xf32>
    tpu.vector_store %arg4[%swap3A, %swap3A_12, %swap3A_13, %swap3A_14], %add3A_11 {strides = array<i32>} : memref<1x30x128x256xf32, #tpu.memory_space<vmem>>, vector<1x30x128x128xf32>,
    %get3A_16 = arith.constant 0 : index
    %get3A_17 = arith.constant 0 : index
    %get3A_18 = arith.constant 0 : index
    %get3A_19 = arith.constant 128 : index
    %get3A_20 = vector.load %arg1[%get3A_16, %get3A_17, %get3A_18, %get3A_19] : memref<1x30x128x256xf32, #tpu.memory_space<vmem>>, vector<1x30x128x128xf32>
    %reshape3A = vector.shape_cast %get3A_5 : vector<3840x128xf32> to vector<1x30x128x128xf32>
    %add3A_21 = arith.addf %get3A_20, %reshape3A : vector<1x30x128x128xf32>
    %swap3A_22 = arith.constant 0 : index
    %swap3A_23 = arith.constant 0 : index
    %swap3A_24 = arith.constant 0 : index
    %swap3A_25 = arith.constant 128 : index
    %swap3A_26 = vector.load %arg4[%swap3A_22, %swap3A_23, %swap3A_24, %swap3A_25] : memref<1x30x128x256xf32, #tpu.memory_space<vmem>>, vector<1x30x128x128xf32>
    tpu.vector_store %arg4[%swap3A_22, %swap3A_23, %swap3A_24, %swap3A_25], %add3A_21 {strides = array<i32>} : memref<1x30x128x256xf32, #tpu.memory_space<vmem>>, vector<1x30x128x128xf32>,
    return
  }
  func.func @transform_0(%arg0: i32) -> (i32, i32, i32, i32) {
    %c0_i32 = arith.constant 0 : i32
    %c0_i32_0 = arith.constant 0 : i32
    %c0_i32_1 = arith.constant 0 : i32
    %c0_i32_2 = arith.constant 0 : i32
    return %arg0, %c0_i32, %c0_i32_0, %c0_i32_1 : i32, i32, i32, i32
  }
  func.func @transform_1(%arg0: i32) -> (i32, i32, i32) {
    %c0_i32 = arith.constant 0 : i32
    %c0_i32_0 = arith.constant 0 : i32
    %c0_i32_1 = arith.constant 0 : i32
    return %arg0, %c0_i32, %c0_i32_0 : i32, i32, i32
  }
  func.func @transform_2(%arg0: i32) -> (i32, i32) {
    %c0_i32 = arith.constant 0 : i32
    %c0_i32_0 = arith.constant 0 : i32
    return %arg0, %c0_i32 : i32, i32
  }
  func.func @transform_3(%arg0: i32) -> (i32, i32, i32, i32) {
    %c0_i32 = arith.constant 0 : i32
    %c0_i32_0 = arith.constant 0 : i32
    %c0_i32_1 = arith.constant 0 : i32
    %c0_i32_2 = arith.constant 0 : i32
    return %arg0, %c0_i32, %c0_i32_0, %c0_i32_1 : i32, i32, i32, i32
  }
}

</mosaic_0001>

<sc_bundles>
// kernel: kernel.4.cloned.1.call-start
scs
__scs_entry_jumppad:
0x0: {  	(pc) =	sbr.rel $0x88, $3  }
0x1: {  	(tag) =	ssettag $0x0;
	lr =	simm.s32 $0x1  }
0x2: {  	[smem:$0x3F9D] =	sst lr;
	_ =	strace $0xD0000000  }
0x3: {  	_ = 	snop  }
0x4: {  	_ = 	snop  }
0x5: {  	_ = 	snop  }
0x6: {  	_ = 	snop  }
0x7: {  	_ = 	snop  }
__scs_overlays_trampoline_lowered:
0x8: {  	[smem:$0x3FAC] =	sst s0  }
0x9: {  	[smem:$0x3FAD] =	sst s1  }
0xa: {  	[smem:$0x3FAE] =	sst s2  }
0xb: {  	[smem:$0x3FAF] =	sst s3  }
0xc: {  	[smem:$0x3FB0] =	sst s4  }
0xd: {  	[smem:$0x3FB1] =	sst s5  }
0xe: {  	[smem:$0x3FB2] =	sst s6  }
0xf: {  	[smem:$0x3FB3] =	sst s7  }
0x10: {  	[smem:$0x3FB4] =	sst s8  }
0x11: {  	[smem:$0x3FB5] =	sst s9;
	s0 =	simm.s32 @!p0 $0x0  }
0x12: {  	s1 =	sld [smem:$0x3F9B];
	s0 =	simm.s32 @p0 $0x1  }
0x13: {  	[smem:$0x3FB6] =	sst s0;
	s0 =	simm.s32 @!p1 $0x0  }
0x14: {  	s2 =	sld [smem:$0x3F9A];
	s0 =	simm.s32 @p1 $0x1  }
0x15: {  	[smem:$0x3FB7] =	sst s0;
	s0 =	simm.s32 @!p2 $0x0  }
0x16: {  	s3 =	sld [smem:$0x3FDB];
	s0 =	simm.s32 @p2 $0x1  }
0x17: {  	s4 =	simm.s32 $0x1BF5;
	[smem:$0x3FB9] =	sst s0  }
0x18: {  	s0 =	sld [smem:$0x3F9C];
	_ =	swait.ge [sflag:s4], $0x0  }
0x19: {  	s7 =	sld [smem:$0x3F9D]  }
0x1a: {  	s8 =	sadd.s32 $0xFFFFE003, lr  }
0x1b: {  	s9 =	sadd.s32 $0xFFFFFEF7, lr;
	s5 =	simm.s32 $0xFFFFFFFF;
	p2 =	slt.u32 s8, $0xFFFFF086  }
0x1c: {  	p1 =	slt.u32 s9, $0xF7A;
	s5 =	simm.s32 @!p2 $0x0  }
0x1d: {  	s5 =	simm.s32 @p1 $0x1;
	p0 =	seq.s32 s7, s2  }
0x1e: {  	s7 =	smul.u32 @!p0 $0xF7A, s2;
	p2 =	seq.s32 @!p0 s5, $0x0  }
0x1f: {  	s9 =	smul.u32 $0xF7A, s1;
	s8 =	simm.s32 @!p0 $0x1BF5;
	p2 =	por !p2, p0  }
0x20: {  	[sflag:s8] =	ssyncset.s32 @!p0 $0xFFFFF086;
	s6 =	sadd.s32 @!p0 s3, s7;
	s7 =	simm.s32 @!p0 $0x108  }
0x21: {  	s3 =	sadd.s32 s3, s9;
	s6 =	sadd.s32 @!p0 $0x88, s6;
	s7 =	simm.s32 @p2 $0x1082  }
0x22: {  	[simem:s7], [sflag:s8] =	dma.local @!p0 [hbm:s6], $0xF7A  }
0x23: {  	s9 =	sor.u32 $0xD0000000, s2;
	s6 =	simm.s32 $0x108;
	_ =	swait.ge @!p0 [sflag:s8], $0x0  }
0x24: {  	s3 =	sadd.s32 $0x88, s3;
	s6 =	simm.s32 @!p1 $0x1082;
	[sflag:s4] =	ssyncset.s32 $0xFFFFF086  }
0x25: {  	[simem:s6], [sflag:s4] =	dma.local [hbm:s3], $0xF7A  }
0x26: {  	[smem:$0x3F9D] =	sst s1;
	(tag) =	ssettag s2;
	_ =	strace s9  }
0x27: {  	s1 =	sld [smem:$0x3FAD]  }
0x28: {  	s2 =	sld [smem:$0x3FAE]  }
0x29: {  	s4 =	sld [smem:$0x3FB0]  }
0x2a: {  	p0 =	seq.s32 s5, $0x0;
	s5 =	sld [smem:$0x3FB1]  }
0x2b: {  	s6 =	sld [smem:$0x3FB2]  }
0x2c: {  	s7 =	sld [smem:$0x3FB3]  }
0x2d: {  	s3 =	simm.s32 $0x108;
	s8 =	sld [smem:$0x3FB4]  }
0x2e: {  	s3 =	simm.s32 @!p0 $0x1082;
	s9 =	sld [smem:$0x3FB5]  }
0x2f: {  	lr =	sadd.s32 s0, s3;
	s0 =	sld [smem:$0x3FAC]  }
0x30: {  	s3 =	sld [smem:$0x3FAF]  }
0x31: {  	[smem:$0x3FB8] =	sst s10  }
0x32: {  	s10 =	sld [smem:$0x3FB6];
	_ =	sdelay $0x3  }
0x33: {  	p0 =	seq.s32 s10, $0x1;
	s10 =	sld [smem:$0x3FB8];
	_ =	sdelay $0x3  }
0x34: {  	[smem:$0x3FB8] =	sst s10  }
0x35: {  	s10 =	sld [smem:$0x3FB7];
	_ =	sdelay $0x3  }
0x36: {  	p1 =	seq.s32 s10, $0x1;
	s10 =	sld [smem:$0x3FB8];
	_ =	sdelay $0x3  }
0x37: {  	[smem:$0x3FB8] =	sst s10  }
0x38: {  	s10 =	sld [smem:$0x3FB9]  }
0x39: {  	_ = 	snop;
	(pc) =	sbr.ind lr, $3  }
0x3a: {  	_ = 	snop  }
0x3b: {  	_ = 	snop  }
0x3c: {  	p2 =	seq.s32 s10, $0x1;
	s10 =	sld [smem:$0x3FB8]  }
0x3d: {  	_ =	shalt  }
0x3e: {  	_ =	shalt  }
0x3f: {  	_ =	shalt  }
0x40: {  	_ =	shalt  }
0x41: {  	_ =	shalt  }
0x42: {  	_ =	shalt  }
0x43: {  	_ =	shalt  }
0x44: {  	_ =	shalt  }
0x45: {  	_ =	shalt  }
0x46: {  	_ =	shalt  }
0x47: {  	_ =	shalt  }
0x48: {  	_ =	shalt  }
0x49: {  	_ =	shalt  }
0x4a: {  	_ =	shalt  }
0x4b: {  	_ =	shalt  }
0x4c: {  	_ =	shalt  }
0x4d: {  	_ =	shalt  }
0x4e: {  	_ =	shalt  }
0x4f: {  	_ =	shalt  }
0x50: {  	_ =	shalt  }
0x51: {  	_ =	shalt  }
0x52: {  	_ =	shalt  }
0x53: {  	_ =	shalt  }
0x54: {  	_ =	shalt  }
0x55: {  	_ =	shalt  }
0x56: {  	_ =	shalt  }
0x57: {  	_ =	shalt  }
0x58: {  	_ =	shalt  }
0x59: {  	_ =	shalt  }
0x5a: {  	_ =	shalt  }
0x5b: {  	_ =	shalt  }
0x5c: {  	_ =	shalt  }
0x5d: {  	_ =	shalt  }
0x5e: {  	_ =	shalt  }
0x5f: {  	_ =	shalt  }
0x60: {  	_ =	shalt  }
0x61: {  	_ =	shalt  }
0x62: {  	_ =	shalt  }
0x63: {  	_ =	shalt  }
0x64: {  	_ =	shalt  }
0x65: {  	_ =	shalt  }
0x66: {  	_ =	shalt  }
0x67: {  	_ =	shalt  }
0x68: {  	_ =	shalt  }
0x69: {  	_ =	shalt  }
0x6a: {  	_ =	shalt  }
0x6b: {  	_ =	shalt  }
0x6c: {  	_ =	shalt  }
0x6d: {  	_ =	shalt  }
0x6e: {  	_ =	shalt  }
0x6f: {  	_ =	shalt  }
0x70: {  	_ =	shalt  }
0x71: {  	_ =	shalt  }
0x72: {  	_ =	shalt  }
0x73: {  	_ =	shalt  }
0x74: {  	_ =	shalt  }
0x75: {  	_ =	shalt  }
0x76: {  	_ =	shalt  }
0x77: {  	_ =	shalt  }
0x78: {  	_ =	shalt  }
0x79: {  	_ =	shalt  }
0x7a: {  	_ =	shalt  }
0x7b: {  	_ =	shalt  }
0x7c: {  	_ =	shalt  }
0x7d: {  	_ =	shalt  }
0x7e: {  	_ =	shalt  }
0x7f: {  	_ =	shalt  }
0x80: {  	_ =	shalt  }
0x81: {  	_ =	shalt  }
0x82: {  	_ =	shalt  }
0x83: {  	_ =	shalt  }
0x84: {  	_ =	shalt  }
0x85: {  	_ =	shalt  }
0x86: {  	_ =	shalt  }
0x87: {  	_ =	shalt  }
.Lfunc_end0:
.L_simem_size_0:
called_computation_lowered:
.L_overlay_start_0:
0x88: {  	s2 =	sld [smem:$0x3FD9]  }
0x89: {  	s3 =	sld [smem:$0x3FFE];
	_ =	sdelay $0x1  }
0x8a: {  	s1 =	srdreg.scid  }
0x8b: {  	s0 =	sand.u32 $0x1, s1  }
0x8c: {  	s17 =	sshll.u32 s0, $0xA;
	s2 =	sadd.s32 s3, s2  }
0x8d: {  	s2 =	sadd.s32 s2, s17  }
0x8e: {  	[smem:$0x3FC4] =	sst s2  }
0x8f: {  	_ = 	snop  }
0x90: {  	s2 =	sld [smem:$0x3FC6]  }
0x91: {  	s18 =	sld [smem:$0x3FD0];
	(tm) =	ssettm $0x1  }
0x92: {  	s4 =	sld [smem:$0x3FFB];
	_ =	sdelay $0x3  }
0x93: {  	_ =	strace s4  }
0x94: {  	s4 =	sld [smem:$0x3FFC];
	_ =	sdelay $0x3  }
0x95: {  	_ =	strace s4  }
0x96: {  	s4 =	sld [smem:$0x3FFD];
	_ =	sdelay $0x3  }
0x97: {  	_ =	strace s4  }
0x98: {  	_ =	strace $0x8FFFFFFF  }
0x99: {  	s19 =	sld [smem:$0x3FDB];
	_ =	sdelay $0x1  }
0x9a: {  	s5 =	simm.s32 $_scs_section_size  }
0x9b: {  	s6 =	simm.s32 $_size__tile_overlayer_lowered;
	s7 =	simm.s32 $_tile_overlayer_lowered  }
0x9c: {  	s22 =	simm.s32 $0x1BFF;
	s21 =	sshll.u32 s7, $0x1;
	s4 =	sadd.s32 s5, s19  }
0x9d: {  	s8 =	simm.s32 $0x0;
	s20 =	sshll.u32 s6, $0x1;
	s6 =	sadd.s32 s21, s4  }
0x9e: {  	[timem:s8], [sflag:s22] =	dma.local [hbm:s6], s20  }
0x9f: {  	_ =	swait.ge [sflag:s22], s20  }
0xa0: {  	s5 =	ssub.s32 $0x0, s20;
	[sflag:s22] =	ssyncset.done $0x0  }
0xa1: {  	[sflag:s22] =	ssyncadd.s32 s5;
	_ =	sdelay $0x1  }
0xa2: {  	s23 =	simm.s32 $0x1B8B  }
0xa3: {  	_ =	swait.ge [sflag:s23], $0x1  }
0xa4: {  	[sflag:s23] =	ssyncset.done $0x0  }
0xa5: {  	s25 =	simm.s32 $0x1B8E;
	s24 =	sld [smem:$0x3FFE];
	[sflag:s23] =	ssyncadd.s32 $0xFFFFFFFF  }
0xa6: {  	s26 =	simm.s32 $execute0_lowered;
	[smem:$0x3FD2] =	sst s25  }
0xa7: {  	s6 =	sshll.u32 s26, $0x1;
	_ =	strace $0x80000046;
	[dreg:$0x1] =	wrdreg $0xFFFFFFFF  }
0xa8: {  	s28 =	simm.s32 $_size_execute0_lowered;
	s4 =	sadd.s32 s4, s6;
	[dreg:$0x0] =	wrdreg $0x0  }
0xa9: {  	s6 =	sshll.u32 s28, $0x1;
	[dreg:$0x2] =	wrdreg s4  }
0xaa: {  	[dreg:$0x3] =	wrdreg s6  }
0xab: {  	[dreg:$0x4] =	wrdreg $0xC0  }
0xac: {  	_ =	task [dreg:s8], $0x5FFFF  }
0xad: {  	[dreg:$0x1] =	wrdreg $0xFFFFFFFF  }
0xae: {  	[dreg:$0x0] =	wrdreg $0x60  }
0xaf: {  	[dreg:$0x2] =	wrdreg s18  }
0xb0: {  	[dreg:$0x3] =	wrdreg s2  }
0xb1: {  	[dreg:$0x4] =	wrdreg s24  }
0xb2: {  	[dreg:$0x5] =	wrdreg $0x0  }
0xb3: {  	[dreg:$0x6] =	wrdreg $0x9  }
0xb4: {  	_ =	task.clear_ibuf [dreg:s8], $0x7FFFF;
	_ =	strace $0x90000046  }
0xb5: {  	s29 =	simm.s32 $0x9;
	_ =	strace $0x80000048  }
0xb6: {  	_ =	swait.ge [sflag:s29], $0x1  }
0xb7: {  	[sflag:s29] =	ssyncadd.s32 $0xFFFFFFFF  }
0xb8: {  	_ =	strace $0x90000048  }
0xb9: {  	_ =	sfence  }
0xba: {  	s30 =	sld [smem:$0x0];
	_ =	sdelay $0x2  }
0xbb: {  	s31 =	sshll.u32 s1, $0xD;
	s1 =	sshrl.u32 s1, $0x2  }
0xbc: {  	s3 =	sand.u32 $0x4000, s31;
	s1 =	sadd.s32 s1, s30  }
0xbd: {  	s0 =	sor.u32 s3, s0;
	s1 =	sshll.u32 s1, $0x11  }
0xbe: {  	s0 =	sor.u32 s1, s0  }
0xbf: {  	s0 =	sadd.s32 $0x8F2B, s0  }
0xc0: {  	[sflag:s0] =	ssyncadd.remote.s32 $0x1  }
0xc1: {  	_ =	sfence.sel $0xFFFF  }
0xc2: {  	[dreg:$0x0] =	wrdreg $0xFFFFFFFF;
	(pc) =	sbr.abs _section_cstart, $3  }
0xc3: {  	[dreg:$0x1] =	wrdreg $0xFFFFFFFF  }
0xc4: {  	_ =	task.clear_ibuf [dreg:s8], $0x2FFFF;
	_ =	strace $0x9FFFFFFF  }
0xc5: {  	(tm) =	ssettm $0x7FFFFFFF  }
tec
execute0_lowered:
.L_overlay_start_1:
0x0: {  	(tag) =	ssettag $0x1  }
0x1: {  	s0 =	rddreg [dreg:$0x0]  }
0x2: {  	s1 =	rddreg [dreg:$0x2]  }
0x3: {  	s2 =	rddreg [dreg:$0x3]  }
0x4: {  	s4 =	srdreg.scid;
	s6 =	stileid.u32  }
0x5: {  	s3 =	simm.s32 $0x0;
	s22 =	simm.s32 $0x16A00;
	s23 =	simm.s32 $0x7  }
0x6: {  	s28 =	simm.s32 $0x7A00;
	s30 =	simm.s32 $0xF200;
	s31 =	simm.s32 $0x1  }
0x7: {  	s29 =	simm.s32 $0x5;
	s4 =	sand.u32 $0x1, s4;
	s5 =	sshll.u32 s6, $0x1  }
0x8: {  	[smem:$0x7FF] =	sst s3;
	s1 =	sadd.s32 $0x600, s1;
	s5 =	sor.u32 s4, s5  }
0x9: {  	p0 =	sne.s32 s6, $0x0;
	s6 =	simm.s32 $0x0;
	s7 =	smul.u32 $0x70800, s5  }
0xa: {  	_ =	strace $0x80000047;
	s4 =	ssub.s32 $0x2, s4;
	s8 =	smul.u32 $0x1C2, s5  }
0xb: {  	s21 =	sshrl.u32 @!p0 s2, $0x3;
	s9 =	sshrl.u32 s4, $0x1;
	s5 =	smul.u32 $0xE100, s5  }
0xc: {  	s4 =	ssub.s32 s4, s9;
	s7 =	sshrl.u32 s7, $0x3;
	s0 =	sadd.s32 s0, s8  }
0xd: {  	s5 =	sadd.s32 s1, s5;
	s26 =	smax.u32 s4, $0x1;
	[dreg:$0x5] =	wrdreg s0  }
0xe: {  	s4 =	simm.s32 $0x6;
	s24 =	sadd.s32 s1, s7;
	[dreg:$0x8] =	wrdreg s26  }
0xf: {  	s9 =	sadd.s32 $0x2D00, s5;
	s10 =	sadd.s32 $0x3C00, s5;
	s11 =	sadd.s32 $0x4B00, s5  }
0x10: {  	s12 =	sadd.s32 $0x5A00, s5;
	s13 =	sadd.s32 $0x6900, s5;
	s14 =	sadd.s32 $0x7800, s5  }
0x11: {  	s15 =	sadd.s32 $0x8700, s5;
	s16 =	sadd.s32 $0x9600, s5;
	s17 =	sadd.s32 $0xA500, s5  }
0x12: {  	s18 =	sadd.s32 $0xB400, s5;
	s19 =	sadd.s32 $0xC300, s5;
	s20 =	sadd.s32 $0xD200, s5  }
0x13: {  	s26 =	simm.s32 $0x2;
	s1 =	simm.s32 $0x3;
	s25 =	sadd.s32 $0xF00, s24  }
0x14: {  	s0 =	sadd.s32 $0x1E00, s24;
	s24 =	simm.s32 $0xF0;
	[dreg:$0x6] =	wrdreg s25  }
0x15: {  	[dreg:$0x7] =	wrdreg s0;
	s25 =	simm.s32 $0x200;
	s0 =	simm.s32 $0x4  }
.LBB2_1:
0x16: {  	s7 =	simm.s32 @!p0 $0x1C07;
	s8 =	rddreg [dreg:$0x1]  }
0x17: {  	[spmem:s21], [sflag:s7] =	dma.local @!p0 [hbm:s8], $0x400  }
0x18: {  	s7 =	simm.s32 @!p0 $0x7  }
0x19: {  	_ =	swait.ge @!p0 [sflag:s7], $0x400  }
0x1a: {  	[sflag:s7] =	ssyncset.done @!p0 $0x0  }
0x1b: {  	s8 =	rddreg [dreg:$0x5];
	[sflag:s7] =	ssyncadd.s32 @!p0 $0xFFFFFC00  }
0x1c: {  	[tilespmem:s22], [sflag:$0x7] =	stream.linear.gather [hbm4b:s8+s3], $0xE10, $0x38;
	[tilespmem:$0x17880] =	vst v63  }
0x1d: {  	_ =	swait.ge [sflag:s23], $0xE10  }
0x1e: {  	[sflag:s23] =	ssyncset.done $0x0  }
0x1f: {  	[sflag:s23] =	ssyncadd.s32 $0xFFFFF1F0  }
0x20: {  	s7 =	simm.s32 $0x0;
	s8 =	simm.s32 $0x40;
	[bflag:$0x0] =	sbarrier.arrive $0xFFFF  }
.LBB2_2:
0x21: {  	p1 =	sne.s32 s8, $0x3800;
	v0 =	vld [tilespmem:s7+$0x16A00];
	_ =	sdelay $0x1  }
.Ltmp0:
0x22: {  	(pc) =	sbr.rel @p1 .LBB2_2-.Ltmp0, $3  }
0x23: {  	_ =	sdelay $0x1  }
0x24: {  	v0 =	vand.u32 $0x3F, v0  }
0x25: {  	[tilespmem:s7+$0x16A00] =	vst v0;
	s7 =	sshra.s32 s8, $0x2;
	s8 =	sadd.s32 $0x40, s8  }
0x26: {  	v0 =	vld [tilespmem:s7+$0x16A00];
	_ =	sdelay $0x4  }
0x27: {  	v0 =	vand.u32 $0x3F, v0  }
0x28: {  	[tilespmem:s7+$0x16A00] =	vst v0  }
0x29: {  	[tilespmem:s25], [sflag:$0x1] =	stream.indirect.gather [spmem:s2], $0x80, s22, s24, $0xb8;
	[tilespmem:$0x17880] =	vst v63  }
0x2a: {  	s8 =	simm.s32 $0x16AF0  }
0x2b: {  	[tilespmem:s28], [sflag:$0x2] =	stream.indirect.gather [spmem:s2], $0x80, s8, s24, $0xb8;
	[tilespmem:$0x17880] =	vst v63  }
0x2c: {  	s8 =	simm.s32 $0x16BE0  }
0x2d: {  	[tilespmem:s30], [sflag:$0x3] =	stream.indirect.gather [spmem:s2], $0x80, s8, s24, $0xb8;
	[tilespmem:$0x17880] =	vst v63  }
0x2e: {  	_ =	swait.ge [sflag:s31], $0x7800  }
0x2f: {  	[sflag:s31] =	ssyncset.done $0x0  }
0x30: {  	[sflag:s31] =	ssyncadd.s32 $0xFFFF8800  }
0x31: {  	[hbm4b:s5+s3] =	stream.linear.scatter [tilespmem:s25], [sflag:$0x4], $0x7800, $0x38;
	[tilespmem:$0x17880] =	vst v63  }
0x32: {  	_ =	swait.ge [sflag:s0], $0x7800  }
0x33: {  	[sflag:s0] =	ssyncset.done $0x0  }
0x34: {  	s8 =	simm.s32 $0x16CD0;
	[sflag:s0] =	ssyncadd.s32 $0xFFFF8800  }
0x35: {  	[tilespmem:s25], [sflag:$0x1] =	stream.indirect.gather [spmem:s2], $0x80, s8, s24, $0xb8;
	[tilespmem:$0x17880] =	vst v63  }
0x36: {  	_ =	swait.ge [sflag:s26], $0x7800  }
0x37: {  	[sflag:s26] =	ssyncset.done $0x0  }
0x38: {  	s8 =	rddreg [dreg:$0x6];
	[sflag:s26] =	ssyncadd.s32 $0xFFFF8800  }
0x39: {  	[hbm4b:s8+s3] =	stream.linear.scatter [tilespmem:s28], [sflag:$0x5], $0x7800, $0x38;
	[tilespmem:$0x17880] =	vst v63  }
0x3a: {  	_ =	swait.ge [sflag:s29], $0x7800  }
0x3b: {  	[sflag:s29] =	ssyncset.done $0x0  }
0x3c: {  	s8 =	simm.s32 $0x16DC0;
	[sflag:s29] =	ssyncadd.s32 $0xFFFF8800  }
0x3d: {  	[tilespmem:s28], [sflag:$0x2] =	stream.indirect.gather [spmem:s2], $0x80, s8, s24, $0xb8;
	[tilespmem:$0x17880] =	vst v63  }
0x3e: {  	_ =	swait.ge [sflag:s1], $0x7800  }
0x3f: {  	[sflag:s1] =	ssyncset.done $0x0  }
0x40: {  	s8 =	rddreg [dreg:$0x7];
	[sflag:s1] =	ssyncadd.s32 $0xFFFF8800  }
0x41: {  	[hbm4b:s8+s3] =	stream.linear.scatter [tilespmem:s30], [sflag:$0x6], $0x7800, $0x38;
	[tilespmem:$0x17880] =	vst v63  }
0x42: {  	_ =	swait.ge [sflag:s4], $0x7800  }
0x43: {  	[sflag:s4] =	ssyncset.done $0x0  }
0x44: {  	s8 =	simm.s32 $0x16EB0;
	[sflag:s4] =	ssyncadd.s32 $0xFFFF8800  }
0x45: {  	[tilespmem:s30], [sflag:$0x3] =	stream.indirect.gather [spmem:s2], $0x80, s8, s24, $0xb8;
	[tilespmem:$0x17880] =	vst v63  }
0x46: {  	_ =	swait.ge [sflag:s31], $0x7800  }
0x47: {  	[sflag:s31] =	ssyncset.done $0x0  }
0x48: {  	[sflag:s31] =	ssyncadd.s32 $0xFFFF8800  }
0x49: {  	[hbm4b:s9+s3] =	stream.linear.scatter [tilespmem:s25], [sflag:$0x4], $0x7800, $0x38;
	[tilespmem:$0x17880] =	vst v63  }
0x4a: {  	_ =	swait.ge [sflag:s0], $0x7800  }
0x4b: {  	[sflag:s0] =	ssyncset.done $0x0  }
0x4c: {  	s8 =	simm.s32 $0x16FA0;
	[sflag:s0] =	ssyncadd.s32 $0xFFFF8800  }
0x4d: {  	[tilespmem:s25], [sflag:$0x1] =	stream.indirect.gather [spmem:s2], $0x80, s8, s24, $0xb8;
	[tilespmem:$0x17880] =	vst v63  }
0x4e: {  	_ =	swait.ge [sflag:s26], $0x7800  }
0x4f: {  	[sflag:s26] =	ssyncset.done $0x0  }
0x50: {  	[sflag:s26] =	ssyncadd.s32 $0xFFFF8800  }
0x51: {  	[hbm4b:s10+s3] =	stream.linear.scatter [tilespmem:s28], [sflag:$0x5], $0x7800, $0x38;
	[tilespmem:$0x17880] =	vst v63  }
0x52: {  	_ =	swait.ge [sflag:s29], $0x7800  }
0x53: {  	[sflag:s29] =	ssyncset.done $0x0  }
0x54: {  	s8 =	simm.s32 $0x17090;
	[sflag:s29] =	ssyncadd.s32 $0xFFFF8800  }
0x55: {  	[tilespmem:s28], [sflag:$0x2] =	stream.indirect.gather [spmem:s2], $0x80, s8, s24, $0xb8;
	[tilespmem:$0x17880] =	vst v63  }
0x56: {  	_ =	swait.ge [sflag:s1], $0x7800  }
0x57: {  	[sflag:s1] =	ssyncset.done $0x0  }
0x58: {  	[sflag:s1] =	ssyncadd.s32 $0xFFFF8800  }
0x59: {  	[hbm4b:s11+s3] =	stream.linear.scatter [tilespmem:s30], [sflag:$0x6], $0x7800, $0x38;
	[tilespmem:$0x17880] =	vst v63  }
0x5a: {  	_ =	swait.ge [sflag:s4], $0x7800  }
0x5b: {  	[sflag:s4] =	ssyncset.done $0x0  }
0x5c: {  	s8 =	simm.s32 $0x17180;
	[sflag:s4] =	ssyncadd.s32 $0xFFFF8800  }
0x5d: {  	[tilespmem:s30], [sflag:$0x3] =	stream.indirect.gather [spmem:s2], $0x80, s8, s24, $0xb8;
	[tilespmem:$0x17880] =	vst v63  }
0x5e: {  	_ =	swait.ge [sflag:s31], $0x7800  }
0x5f: {  	[sflag:s31] =	ssyncset.done $0x0  }
0x60: {  	[sflag:s31] =	ssyncadd.s32 $0xFFFF8800  }
0x61: {  	[hbm4b:s12+s3] =	stream.linear.scatter [tilespmem:s25], [sflag:$0x4], $0x7800, $0x38;
	[tilespmem:$0x17880] =	vst v63  }
0x62: {  	_ =	swait.ge [sflag:s0], $0x7800  }
0x63: {  	[sflag:s0] =	ssyncset.done $0x0  }
0x64: {  	s8 =	simm.s32 $0x17270;
	[sflag:s0] =	ssyncadd.s32 $0xFFFF8800  }
0x65: {  	[tilespmem:s25], [sflag:$0x1] =	stream.indirect.gather [spmem:s2], $0x80, s8, s24, $0xb8;
	[tilespmem:$0x17880] =	vst v63  }
0x66: {  	_ =	swait.ge [sflag:s26], $0x7800  }
0x67: {  	[sflag:s26] =	ssyncset.done $0x0  }
0x68: {  	[sflag:s26] =	ssyncadd.s32 $0xFFFF8800  }
0x69: {  	[hbm4b:s13+s3] =	stream.linear.scatter [tilespmem:s28], [sflag:$0x5], $0x7800, $0x38;
	[tilespmem:$0x17880] =	vst v63  }
0x6a: {  	_ =	swait.ge [sflag:s29], $0x7800  }
0x6b: {  	[sflag:s29] =	ssyncset.done $0x0  }
0x6c: {  	s8 =	simm.s32 $0x17360;
	[sflag:s29] =	ssyncadd.s32 $0xFFFF8800  }
0x6d: {  	[tilespmem:s28], [sflag:$0x2] =	stream.indirect.gather [spmem:s2], $0x80, s8, s24, $0xb8;
	[tilespmem:$0x17880] =	vst v63  }
0x6e: {  	_ =	swait.ge [sflag:s1], $0x7800  }
0x6f: {  	[sflag:s1] =	ssyncset.done $0x0  }
0x70: {  	[sflag:s1] =	ssyncadd.s32 $0xFFFF8800  }
0x71: {  	[hbm4b:s14+s3] =	stream.linear.scatter [tilespmem:s30], [sflag:$0x6], $0x7800, $0x38;
	[tilespmem:$0x17880] =	vst v63  }
0x72: {  	_ =	swait.ge [sflag:s4], $0x7800  }
0x73: {  	[sflag:s4] =	ssyncset.done $0x0  }
0x74: {  	s8 =	simm.s32 $0x17450;
	[sflag:s4] =	ssyncadd.s32 $0xFFFF8800  }
0x75: {  	[tilespmem:s30], [sflag:$0x3] =	stream.indirect.gather [spmem:s2], $0x80, s8, s24, $0xb8;
	[tilespmem:$0x17880] =	vst v63  }
0x76: {  	_ =	swait.ge [sflag:s31], $0x7800  }
0x77: {  	[sflag:s31] =	ssyncset.done $0x0  }
0x78: {  	[sflag:s31] =	ssyncadd.s32 $0xFFFF8800  }
0x79: {  	[hbm4b:s15+s3] =	stream.linear.scatter [tilespmem:s25], [sflag:$0x4], $0x7800, $0x38;
	[tilespmem:$0x17880] =	vst v63  }
0x7a: {  	_ =	swait.ge [sflag:s0], $0x7800  }
0x7b: {  	[sflag:s0] =	ssyncset.done $0x0  }
0x7c: {  	s8 =	simm.s32 $0x17540;
	[sflag:s0] =	ssyncadd.s32 $0xFFFF8800  }
0x7d: {  	[tilespmem:s25], [sflag:$0x1] =	stream.indirect.gather [spmem:s2], $0x80, s8, s24, $0xb8;
	[tilespmem:$0x17880] =	vst v63  }
0x7e: {  	_ =	swait.ge [sflag:s26], $0x7800  }
0x7f: {  	[sflag:s26] =	ssyncset.done $0x0  }
0x80: {  	[sflag:s26] =	ssyncadd.s32 $0xFFFF8800  }
0x81: {  	[hbm4b:s16+s3] =	stream.linear.scatter [tilespmem:s28], [sflag:$0x5], $0x7800, $0x38;
	[tilespmem:$0x17880] =	vst v63  }
0x82: {  	_ =	swait.ge [sflag:s29], $0x7800  }
0x83: {  	[sflag:s29] =	ssyncset.done $0x0  }
0x84: {  	s8 =	simm.s32 $0x17630;
	[sflag:s29] =	ssyncadd.s32 $0xFFFF8800  }
0x85: {  	[tilespmem:s28], [sflag:$0x2] =	stream.indirect.gather [spmem:s2], $0x80, s8, s24, $0xb8;
	[tilespmem:$0x17880] =	vst v63  }
0x86: {  	_ =	swait.ge [sflag:s1], $0x7800  }
0x87: {  	[sflag:s1] =	ssyncset.done $0x0  }
0x88: {  	[sflag:s1] =	ssyncadd.s32 $0xFFFF8800  }
0x89: {  	[hbm4b:s17+s3] =	stream.linear.scatter [tilespmem:s30], [sflag:$0x6], $0x7800, $0x38;
	[tilespmem:$0x17880] =	vst v63  }
0x8a: {  	_ =	swait.ge [sflag:s4], $0x7800  }
0x8b: {  	[sflag:s4] =	ssyncset.done $0x0  }
0x8c: {  	s8 =	simm.s32 $0x17720;
	[sflag:s4] =	ssyncadd.s32 $0xFFFF8800  }
0x8d: {  	[tilespmem:s30], [sflag:$0x3] =	stream.indirect.gather [spmem:s2], $0x80, s8, s24, $0xb8;
	[tilespmem:$0x17880] =	vst v63  }
0x8e: {  	_ =	swait.ge [sflag:s31], $0x7800  }
0x8f: {  	[sflag:s31] =	ssyncset.done $0x0  }
0x90: {  	[sflag:s31] =	ssyncadd.s32 $0xFFFF8800  }
0x91: {  	[hbm4b:s18+s3] =	stream.linear.scatter [tilespmem:s25], [sflag:$0x4], $0x7800, $0x38;
	[tilespmem:$0x17880] =	vst v63  }
0x92: {  	_ =	swait.ge [sflag:s26], $0x7800  }
0x93: {  	[sflag:s26] =	ssyncset.done $0x0  }
0x94: {  	[sflag:s26] =	ssyncadd.s32 $0xFFFF8800  }
0x95: {  	[hbm4b:s19+s3] =	stream.linear.scatter [tilespmem:s28], [sflag:$0x5], $0x7800, $0x38;
	[tilespmem:$0x17880] =	vst v63  }
0x96: {  	_ =	swait.ge [sflag:s1], $0x7800  }
0x97: {  	[sflag:s1] =	ssyncset.done $0x0  }
0x98: {  	[sflag:s1] =	ssyncadd.s32 $0xFFFF8800  }
0x99: {  	[hbm4b:s20+s3] =	stream.linear.scatter [tilespmem:s30], [sflag:$0x6], $0x7800, $0x38;
	[tilespmem:$0x17880] =	vst v63  }
0x9a: {  	_ =	swait.ge [sflag:s0], $0x7800  }
0x9b: {  	[sflag:s0] =	ssyncset.done $0x0  }
0x9c: {  	[sflag:s0] =	ssyncadd.s32 $0xFFFF8800  }
0x9d: {  	_ =	swait.ge [sflag:s29], $0x7800  }
0x9e: {  	[sflag:s29] =	ssyncset.done $0x0  }
0x9f: {  	[sflag:s29] =	ssyncadd.s32 $0xFFFF8800  }
0xa0: {  	_ =	swait.ge [sflag:s4], $0x7800  }
0xa1: {  	s6 =	sadd.s32 $0x1, s6;
	s8 =	rddreg [dreg:$0x8]  }
0xa2: {  	p1 =	sne.s32 s6, s8  }
.Ltmp1:
0xa3: {  	_ = 	snop;
	(pc) =	sbr.rel @p1 .LBB2_1-.Ltmp1, $3  }
0xa4: {  	_ =	sdelay $0x1  }
0xa5: {  	[sflag:s4] =	ssyncset.done $0x0  }
0xa6: {  	[sflag:s4] =	ssyncadd.s32 $0xFFFF8800  }
0xa7: {  	_ =	sfence.sel $0x180000  }
0xa8: {  	[bflag:$0x0] =	sbarrier.arrive $0xFFFF  }
0xa9: {  	_ =	strace $0x90000047  }
0xaa: {  	[bflag:$0x2] =	sbarrier.arrive $0xFFFF  }
0xab: {  	s0 =	rddreg [dreg:$0x4]  }
0xac: {  	s0 =	sadd.s32 @!p0 $0x100000, s0  }
0xad: {  	[sflag:s0] =	ssyncadd.tile.s32 @!p0 $0x1;
	_ =	shalt  }
.Lfunc_end2:
_tile_overlayer_lowered:
.L_overlay_start_2:
0xae: {  	(tag) =	ssettag $0x2  }
0xaf: {  	s0 =	rddreg [dreg:$0x0];
	s2 =	stileid.u32  }
0xb0: {  	s1 =	rddreg [dreg:$0x1];
	p0 =	sne.s32 s2, $0x0  }
0xb1: {  	s3 =	rddreg [dreg:$0x2];
	[bflag:$0x3] =	sbarrier.arrive $0xFFFF;
	s2 =	simm.s32 @!p0 $0x1C07  }
0xb2: {  	[timem:s3], [sflag:s2] =	dma.local @!p0 [hbm:s0], s1  }
0xb3: {  	s0 =	simm.s32 @!p0 $0x7  }
0xb4: {  	_ =	swait.ge @!p0 [sflag:s0], s1  }
0xb5: {  	s1 =	ssub.s32 @!p0 $0x0, s1;
	[sflag:s0] =	ssyncset.done @!p0 $0x0  }
0xb6: {  	[sflag:s0] =	ssyncadd.s32 @!p0 s1  }
0xb7: {  	[bflag:$0x3] =	sbarrier.arrive $0xFFFF  }
0xb8: {  	_ =	shalt  }

</sc_bundles>
